<compile_context>
chip_gen: v7x
topology: tpu7x:2x2x1
jax: 0.10.2.dev20260603
libtpu: 0.0.44.dev20260713+nightly
codegen_flags: <defaults>
</compile_context>

<pallas_src>
import functools

import jax
import jax.numpy as jnp
from jax import lax
from jax.experimental import pallas as pl
from jax.experimental.pallas import tpu as pltpu
from jax.experimental.pallas import tpu_sc as plsc

NUM_CODES = 8192
EMBED_DIM = 256
BETA = 0.25
TOKENS = 8192

TM = 1024
TN = 2048
T_TILES = TOKENS // TM
C_TILES = NUM_CODES // TN


def _fused_body(z_ref, w_ref, idx_ref, enc_ref, minv_ref,
                minv_s, mini_s, pidx_s):
    t = pl.program_id(0)
    c = pl.program_id(1)

    @pl.when(t > 0)
    def _():
        jc = lax.broadcasted_iota(jnp.int32, (TM, TN), 1) + c * TN
        oh = jnp.where(pidx_s[...] == jc, 1.0, 0.0).astype(jnp.float32)
        enc_ref[...] = oh

    @pl.when(t < T_TILES)
    def _():
        z = z_ref[...]
        w = w_ref[...]
        z2 = jnp.sum(z * z, axis=1, keepdims=True)
        w2 = jnp.sum(w * w, axis=1, keepdims=True).T
        mneg2 = lax.dot_general(
            (z * -2.0).astype(jnp.bfloat16), w.astype(jnp.bfloat16),
            (((1,), (1,)), ((), ())),
            preferred_element_type=jnp.float32)
        d = (z2 + w2) + mneg2
        bmin = jnp.min(d, axis=1, keepdims=True)
        jio = lax.broadcasted_iota(jnp.int32, (1, TN), 1).astype(jnp.float32)
        bidx_f = jnp.min(jnp.where(d == bmin, jio, float(TN)), axis=1,
                         keepdims=True)
        bidx = bidx_f.astype(jnp.int32) + c * TN

        @pl.when(c == 0)
        def _():
            minv_s[...] = bmin
            mini_s[...] = bidx

        @pl.when(c > 0)
        def _():
            better = bmin < minv_s[...]
            minv_s[...] = jnp.where(better, bmin, minv_s[...])
            mini_s[...] = jnp.where(better, bidx, mini_s[...])

        @pl.when(c == C_TILES - 1)
        def _():
            final = mini_s[...]
            idx_ref[...] = final
            pidx_s[...] = final
            minv_ref[...] = minv_s[...]


def _fused_call(z_flat, weight):
    return pl.pallas_call(
        _fused_body,
        grid=(T_TILES + 1, C_TILES),
        in_specs=[
            pl.BlockSpec((TM, EMBED_DIM),
                         lambda t, c: (jnp.minimum(t, T_TILES - 1), 0)),
            pl.BlockSpec((TN, EMBED_DIM), lambda t, c: (c, 0)),
        ],
        out_specs=[
            pl.BlockSpec((TM, 1),
                         lambda t, c: (jnp.minimum(t, T_TILES - 1), 0)),
            pl.BlockSpec((TM, TN),
                         lambda t, c: (jnp.maximum(t - 1, 0), c)),
            pl.BlockSpec((TM, 1),
                         lambda t, c: (jnp.minimum(t, T_TILES - 1), 0)),
        ],
        out_shape=[
            jax.ShapeDtypeStruct((TOKENS, 1), jnp.int32),
            jax.ShapeDtypeStruct((TOKENS, NUM_CODES), jnp.float32),
            jax.ShapeDtypeStruct((TOKENS, 1), jnp.float32),
        ],
        scratch_shapes=[
            pltpu.VMEM((TM, 1), jnp.float32),
            pltpu.VMEM((TM, 1), jnp.int32),
            pltpu.VMEM((TM, 1), jnp.int32),
        ],
        compiler_params=pltpu.CompilerParams(
            dimension_semantics=("arbitrary", "arbitrary")),
    )(z_flat, weight)



def _gather_call(weight, idx_flat):
    info = plsc.get_sparse_core_info()
    nc = info.num_cores
    nw = nc * info.num_subcores
    b_per_w = TOKENS // nw
    mesh = plsc.VectorSubcoreMesh(core_axis_name="c", subcore_axis_name="s")

    @functools.partial(
        pl.kernel, mesh=mesh,
        out_type=[
            jax.ShapeDtypeStruct((TOKENS, EMBED_DIM), jnp.float32),
            jax.ShapeDtypeStruct((nc, NUM_CODES), jnp.float32),
        ],
        scratch_types=[
            pltpu.VMEM((b_per_w,), jnp.int32),
            pltpu.VMEM((b_per_w, EMBED_DIM), jnp.float32),
            pltpu.VMEM((b_per_w,), jnp.float32),
            pltpu.VMEM_SHARED((NUM_CODES,), jnp.float32),
            pltpu.SemaphoreType.DMA,
        ],
    )
    def k(table_hbm, idx_hbm, zeros_hbm, ones_hbm, out_hbm, cnt_hbm,
          idx_v, rows_v, ones_v, cnt_sh, sem):
        cid = lax.axis_index("c")
        sid = lax.axis_index("s")
        wid = sid * nc + cid
        base = wid * b_per_w
        pltpu.sync_copy(idx_hbm.at[pl.ds(base, b_per_w)], idx_v)

        @pl.when(sid == 0)
        def _():
            pltpu.sync_copy(zeros_hbm, cnt_sh)

        pltpu.sync_copy(ones_hbm, ones_v)
        pltpu.async_copy(table_hbm.at[idx_v], rows_v, sem).wait()
        plsc.subcore_barrier()
        pltpu.sync_copy(ones_v, cnt_sh.at[idx_v], add=True)
        plsc.subcore_barrier()

        pltpu.sync_copy(rows_v, out_hbm.at[pl.ds(base, b_per_w)])

        @pl.when(sid == 0)
        def _():
            pltpu.sync_copy(cnt_sh, cnt_hbm.at[cid])

    zeros = jnp.zeros((NUM_CODES,), jnp.float32)
    ones = jnp.ones((b_per_w,), jnp.float32)
    return k(weight, idx_flat, zeros, ones)



def _scalar_body(minv_ref, cnt_ref, loss_ref, perp_ref):
    s = jnp.sum(minv_ref[...]).reshape(1, 1)
    loss_ref[...] = BETA * s / (TOKENS * EMBED_DIM)
    p = jnp.sum(cnt_ref[...], axis=0, keepdims=True) * (1.0 / TOKENS)
    ent = jnp.sum(p * jnp.log(p + 1e-10)).reshape(1, 1)
    perp_ref[...] = jnp.exp(-ent)


def _scalar_call(minv, cnt2):
    return pl.pallas_call(
        _scalar_body,
        grid=(1,),
        in_specs=[
            pl.BlockSpec((TOKENS, 1), lambda t: (0, 0)),
            pl.BlockSpec(cnt2.shape, lambda t: (0, 0)),
        ],
        out_specs=[
            pl.BlockSpec((1, 1), lambda t: (0, 0)),
            pl.BlockSpec((1, 1), lambda t: (0, 0)),
        ],
        out_shape=[
            jax.ShapeDtypeStruct((1, 1), jnp.float32),
            jax.ShapeDtypeStruct((1, 1), jnp.float32),
        ],
    )(minv, cnt2)


def kernel(z, weight):
    z_m = jnp.moveaxis(z, 1, -1)
    z_flat = z_m.reshape(-1, EMBED_DIM)

    idx2d, encodings, minv = _fused_call(z_flat, weight)
    idx = idx2d.reshape(TOKENS)

    z_q, cnt2 = _gather_call(weight, idx)
    loss11, perp11 = _scalar_call(minv, cnt2)

    z_q_out = jnp.moveaxis(z_q.reshape(z_m.shape), -1, 1)
    loss = loss11.reshape(())
    perplexity = perp11.reshape(())
    return (z_q_out, loss, perplexity, encodings, idx)

# --- scband reference (transcript-rebuilt; emitter-appended) ---
"""Pipeline reference for scband-emavector-quantizer-76106820485795 (READ-ONLY COPY).

The authoritative reference and input builder live on the scoring server;
editing this copy changes nothing except your own understanding.
"""

import jax, jax.numpy as jnp
import numpy as np

NUM_CODES = 8192
EMBED_DIM = 256
BETA = 0.25


def setup_inputs(seed: int = 0) -> dict:
    key = jax.random.key(seed)
    k1, k2 = jax.random.split(key)
    z = jax.random.normal(k1, (8, 256, 32, 32), dtype=jnp.float32)
    # EmbeddingEMA weight = torch.randn(num_tokens, codebook_dim)
    weight = jax.random.normal(k2, (NUM_CODES, EMBED_DIM), dtype=jnp.float32)
    return {"z": z, "weight": weight}


def reference(z, weight):
    # z: [B, C, H, W] with C == embedding_dim; movedim(1, -1)
    z_m = jnp.moveaxis(z, 1, -1)
    z_flat = z_m.reshape(-1, EMBED_DIM)
    # squared L2 distance to every code
    distance = (jnp.sum(z_flat ** 2, axis=1, keepdims=True)
                + jnp.sum(weight ** 2, axis=1)
                - 2.0 * jnp.einsum('bd,nd->bn', z_flat, weight))
    encoding_indices = jnp.argmin(distance, axis=1)
    # embedding lookup (gather rows of codebook)
    z_q = jnp.take(weight, encoding_indices, axis=0).reshape(z_m.shape)
    encodings = jax.nn.one_hot(encoding_indices, NUM_CODES, dtype=z_m.dtype)
    avg_probs = jnp.mean(encodings, axis=0)
    # max(1e-10, torch.finfo(float32).tiny) == 1e-10
    perplexity = jnp.exp(-jnp.sum(avg_probs * jnp.log(avg_probs + 1e-10)))
    # NOTE: EMA buffer updates in torch mutate non-grad buffers AFTER z_q /
    # indices are computed, so the returned outputs are unaffected; omitted here.
    loss = BETA * jnp.mean((jax.lax.stop_gradient(z_q) - z_m) ** 2)
    z_q_st = z_m + jax.lax.stop_gradient(z_q - z_m)
    z_q_out = jnp.moveaxis(z_q_st, -1, 1)
    return (z_q_out, loss, perplexity, encodings, encoding_indices)

if __name__ == "__main__":
    import jax
    _d = setup_inputs()
    print(jax.jit(kernel)(*tuple(_d.values())))

</pallas_src>

<mosaic_0001>
#map = affine_map<(d0, d1) -> (0, 0)>
#map1 = affine_map<(d0, d1) -> (0)>
module attributes {stable_mosaic.version = 14 : i64} {
  func.func @k(%arg0: i32, %arg1: i32, %arg2: memref<8192x256xf32, #tpu.memory_space<hbm>>, %arg3: memref<8192xi32, #tpu.memory_space<hbm>>, %arg4: memref<8192xf32, #tpu.memory_space<hbm>>, %arg5: memref<256xf32, #tpu.memory_space<hbm>>, %arg6: memref<8192x256xf32, #tpu.memory_space<hbm>>, %arg7: memref<2x8192xf32, #tpu.memory_space<hbm>>, %arg8: memref<256xi32, #tpu.memory_space<vmem>>, %arg9: memref<256x256xf32, #tpu.memory_space<vmem>>, %arg10: memref<256xf32, #tpu.memory_space<vmem>>, %arg11: memref<8192xf32, #tpu.memory_space<vmem_shared>>, %arg12: memref<!tpu.dma_semaphore, #tpu.memory_space<semaphore_mem>>) attributes {dimension_semantics = [#tpu.dimension_semantics<core_parallel>, #tpu.dimension_semantics<subcore_parallel>], iteration_bounds = array<i64: 2, 16>, scalar_prefetch = 0 : i64, scratch_operands = 5 : i64, tpu.core_type = #tpu.core_type<sc_vector_subcore>, window_params = [{transform_indices = #map}, {transform_indices = #map1}, {transform_indices = #map1}, {transform_indices = #map1}, {transform_indices = #map}, {transform_indices = #map}]} {
    %mul3A = arith.constant 2 : i32
    %mul3A_0 = arith.muli %arg1, %mul3A : i32
    %add3A = arith.addi %mul3A_0, %arg0 : i32
    %mul3A_1 = arith.constant 256 : i32
    %mul3A_2 = arith.muli %add3A, %mul3A_1 : i32
    "tpu.region"() ({
      %run_scoped3A = tpu.sem_alloc : memref<!tpu.dma_semaphore, #tpu.memory_space<semaphore_mem>>
      %dma_start3A_15 = tpu.memref_slice %arg3[%mul3A_2] : memref<8192xi32, #tpu.memory_space<hbm>> -> memref<256xi32, #tpu.memory_space<hbm>>
      %dma_start3A_16 = tpu.memref_slice %arg3[%mul3A_2] : memref<8192xi32, #tpu.memory_space<hbm>> -> memref<256xi32, #tpu.memory_space<hbm>>
      tpu.enqueue_dma source(%dma_start3A_16 : memref<256xi32, #tpu.memory_space<hbm>>) target(%arg8 : memref<256xi32, #tpu.memory_space<vmem>>) target_semaphore(%run_scoped3A : memref<!tpu.dma_semaphore, #tpu.memory_space<semaphore_mem>>)
      %dma_wait3A_17 = tpu.memref_slice %arg3[%mul3A_2] : memref<8192xi32, #tpu.memory_space<hbm>> -> memref<256xi32, #tpu.memory_space<hbm>>
      %dma_wait3A_18 = tpu.memref_slice %arg3[%mul3A_2] : memref<8192xi32, #tpu.memory_space<hbm>> -> memref<256xi32, #tpu.memory_space<hbm>>
      tpu.wait_dma2 semaphore(%run_scoped3A : memref<!tpu.dma_semaphore, #tpu.memory_space<semaphore_mem>>) src(%dma_wait3A_18 : memref<256xi32, #tpu.memory_space<hbm>>) dst(%arg8 : memref<256xi32, #tpu.memory_space<vmem>>)
      tpu.yield
    }) : () -> ()
    %eq3A = arith.constant 0 : i32
    %eq3A_3 = arith.cmpi eq, %arg1, %eq3A : i32
    %convert_element_type3A = arith.extui %eq3A_3 : i1 to i32
    %cond3A = arith.constant 0 : i32
    %cond3A_4 = arith.cmpi ne, %convert_element_type3A, %cond3A : i32
    scf.if %cond3A_4 {
      "tpu.region"() ({
        %run_scoped3A = tpu.sem_alloc : memref<!tpu.dma_semaphore, #tpu.memory_space<semaphore_mem>>
        tpu.enqueue_dma source(%arg4 : memref<8192xf32, #tpu.memory_space<hbm>>) target(%arg11 : memref<8192xf32, #tpu.memory_space<vmem_shared>>) target_semaphore(%run_scoped3A : memref<!tpu.dma_semaphore, #tpu.memory_space<semaphore_mem>>)
        tpu.wait_dma2 semaphore(%run_scoped3A : memref<!tpu.dma_semaphore, #tpu.memory_space<semaphore_mem>>) src(%arg4 : memref<8192xf32, #tpu.memory_space<hbm>>) dst(%arg11 : memref<8192xf32, #tpu.memory_space<vmem_shared>>)
        tpu.yield
      }) : () -> ()
    } else {
    }
    "tpu.region"() ({
      %run_scoped3A = tpu.sem_alloc : memref<!tpu.dma_semaphore, #tpu.memory_space<semaphore_mem>>
      tpu.enqueue_dma source(%arg5 : memref<256xf32, #tpu.memory_space<hbm>>) target(%arg10 : memref<256xf32, #tpu.memory_space<vmem>>) target_semaphore(%run_scoped3A : memref<!tpu.dma_semaphore, #tpu.memory_space<semaphore_mem>>)
      tpu.wait_dma2 semaphore(%run_scoped3A : memref<!tpu.dma_semaphore, #tpu.memory_space<semaphore_mem>>) src(%arg5 : memref<256xf32, #tpu.memory_space<hbm>>) dst(%arg10 : memref<256xf32, #tpu.memory_space<vmem>>)
      tpu.yield
    }) : () -> ()
    %dma_start3A = arith.constant 0 : i32
    %dma_start3A_5 = arith.constant 0 : i32
    %dma_start3A_6 = tpu.memref_slice %arg2[%dma_start3A, %dma_start3A_5] : memref<8192x256xf32, #tpu.memory_space<hbm>> -> memref<8192x256xf32, #tpu.memory_space<hbm>>
    tpu.enqueue_indirect_dma source(%dma_start3A_6 : memref<8192x256xf32, #tpu.memory_space<hbm>>) target(%arg9 : memref<256x256xf32, #tpu.memory_space<vmem>>) offsets(%arg8 : memref<256xi32, #tpu.memory_space<vmem>>) semaphore(%arg12 : memref<!tpu.dma_semaphore, #tpu.memory_space<semaphore_mem>>)
    %dma_wait3A = arith.constant 0 : i32
    %dma_wait3A_7 = arith.constant 0 : i32
    %dma_wait3A_8 = tpu.memref_slice %arg2[%dma_wait3A, %dma_wait3A_7] : memref<8192x256xf32, #tpu.memory_space<hbm>> -> memref<8192x256xf32, #tpu.memory_space<hbm>>
    tpu.wait_indirect_dma semaphore(%arg12 : memref<!tpu.dma_semaphore, #tpu.memory_space<semaphore_mem>>) src(%dma_wait3A_8 : memref<8192x256xf32, #tpu.memory_space<hbm>>) dst(%arg9 : memref<256x256xf32, #tpu.memory_space<vmem>>)
    %barrier3A = arith.constant 0 : index
    tpu.barrier barrier_id(%barrier3A)
    "tpu.region"() ({
      %run_scoped3A = tpu.sem_alloc : memref<!tpu.dma_semaphore, #tpu.memory_space<semaphore_mem>>
      %dma_start3A_15 = arith.constant 0 : i32
      %dma_start3A_16 = tpu.memref_slice %arg11[%dma_start3A_15] : memref<8192xf32, #tpu.memory_space<vmem_shared>> -> memref<8192xf32, #tpu.memory_space<vmem_shared>>
      tpu.enqueue_indirect_dma source(%arg10 : memref<256xf32, #tpu.memory_space<vmem>>) target(%dma_start3A_16 : memref<8192xf32, #tpu.memory_space<vmem_shared>>) offsets(%arg8 : memref<256xi32, #tpu.memory_space<vmem>>) semaphore(%run_scoped3A : memref<!tpu.dma_semaphore, #tpu.memory_space<semaphore_mem>>) {add = true}
      %dma_wait3A_17 = arith.constant 0 : i32
      %dma_wait3A_18 = tpu.memref_slice %arg11[%dma_wait3A_17] : memref<8192xf32, #tpu.memory_space<vmem_shared>> -> memref<8192xf32, #tpu.memory_space<vmem_shared>>
      tpu.wait_indirect_dma semaphore(%run_scoped3A : memref<!tpu.dma_semaphore, #tpu.memory_space<semaphore_mem>>) src(%arg10 : memref<256xf32, #tpu.memory_space<vmem>>) dst(%dma_wait3A_18 : memref<8192xf32, #tpu.memory_space<vmem_shared>>)
      tpu.yield
    }) : () -> ()
    %barrier3A_9 = arith.constant 0 : index
    tpu.barrier barrier_id(%barrier3A_9)
    "tpu.region"() ({
      %run_scoped3A = tpu.sem_alloc : memref<!tpu.dma_semaphore, #tpu.memory_space<semaphore_mem>>
      %dma_start3A_15 = arith.constant 0 : i32
      %dma_start3A_16 = tpu.memref_slice %arg6[%mul3A_2, %dma_start3A_15] : memref<8192x256xf32, #tpu.memory_space<hbm>> -> memref<256x256xf32, #tpu.memory_space<hbm>>
      %dma_start3A_17 = arith.constant 0 : i32
      %dma_start3A_18 = tpu.memref_slice %arg6[%mul3A_2, %dma_start3A_17] : memref<8192x256xf32, #tpu.memory_space<hbm>> -> memref<256x256xf32, #tpu.memory_space<hbm>>
      tpu.enqueue_dma source(%arg9 : memref<256x256xf32, #tpu.memory_space<vmem>>) target(%dma_start3A_18 : memref<256x256xf32, #tpu.memory_space<hbm>>) target_semaphore(%run_scoped3A : memref<!tpu.dma_semaphore, #tpu.memory_space<semaphore_mem>>)
      %dma_wait3A_19 = arith.constant 0 : i32
      %dma_wait3A_20 = tpu.memref_slice %arg6[%mul3A_2, %dma_wait3A_19] : memref<8192x256xf32, #tpu.memory_space<hbm>> -> memref<256x256xf32, #tpu.memory_space<hbm>>
      %dma_wait3A_21 = arith.constant 0 : i32
      %dma_wait3A_22 = tpu.memref_slice %arg6[%mul3A_2, %dma_wait3A_21] : memref<8192x256xf32, #tpu.memory_space<hbm>> -> memref<256x256xf32, #tpu.memory_space<hbm>>
      tpu.wait_dma2 semaphore(%run_scoped3A : memref<!tpu.dma_semaphore, #tpu.memory_space<semaphore_mem>>) src(%arg9 : memref<256x256xf32, #tpu.memory_space<vmem>>) dst(%dma_wait3A_22 : memref<256x256xf32, #tpu.memory_space<hbm>>)
      tpu.yield
    }) : () -> ()
    %eq3A_10 = arith.constant 0 : i32
    %eq3A_11 = arith.cmpi eq, %arg1, %eq3A_10 : i32
    %convert_element_type3A_12 = arith.extui %eq3A_11 : i1 to i32
    %cond3A_13 = arith.constant 0 : i32
    %cond3A_14 = arith.cmpi ne, %convert_element_type3A_12, %cond3A_13 : i32
    scf.if %cond3A_14 {
      "tpu.region"() ({
        %run_scoped3A = tpu.sem_alloc : memref<!tpu.dma_semaphore, #tpu.memory_space<semaphore_mem>>
        %dma_start3A_15 = arith.constant 0 : i32
        %dma_start3A_16 = tpu.memref_slice %arg7[%arg0, %dma_start3A_15] : memref<2x8192xf32, #tpu.memory_space<hbm>> -> memref<1x8192xf32, #tpu.memory_space<hbm>>
        %dma_start3A_17 = tpu.memref_squeeze %dma_start3A_16 : memref<1x8192xf32, #tpu.memory_space<hbm>> -> memref<8192xf32, #tpu.memory_space<hbm>>
        tpu.enqueue_dma source(%arg11 : memref<8192xf32, #tpu.memory_space<vmem_shared>>) target(%dma_start3A_17 : memref<8192xf32, #tpu.memory_space<hbm>>) target_semaphore(%run_scoped3A : memref<!tpu.dma_semaphore, #tpu.memory_space<semaphore_mem>>)
        %dma_wait3A_18 = arith.constant 0 : i32
        %dma_wait3A_19 = tpu.memref_slice %arg7[%arg0, %dma_wait3A_18] : memref<2x8192xf32, #tpu.memory_space<hbm>> -> memref<1x8192xf32, #tpu.memory_space<hbm>>
        %dma_wait3A_20 = tpu.memref_squeeze %dma_wait3A_19 : memref<1x8192xf32, #tpu.memory_space<hbm>> -> memref<8192xf32, #tpu.memory_space<hbm>>
        tpu.wait_dma2 semaphore(%run_scoped3A : memref<!tpu.dma_semaphore, #tpu.memory_space<semaphore_mem>>) src(%arg11 : memref<8192xf32, #tpu.memory_space<vmem_shared>>) dst(%dma_wait3A_20 : memref<8192xf32, #tpu.memory_space<hbm>>)
        tpu.yield
      }) : () -> ()
    } else {
    }
    return
  }
}

module attributes {stable_mosaic.version = 14 : i64} {
  func.func @_scalar_body(%arg0: i32, %arg1: memref<8192x1xf32, #tpu.memory_space<vmem>>, %arg2: memref<2x8192xf32, #tpu.memory_space<vmem>>, %arg3: memref<1x1xf32, #tpu.memory_space<vmem>>, %arg4: memref<1x1xf32, #tpu.memory_space<vmem>>) attributes {dimension_semantics = [#tpu.dimension_semantics<arbitrary>], iteration_bounds = array<i64: 1>, scalar_prefetch = 0 : i64, scratch_operands = 0 : i64, tpu.core_type = #tpu.core_type<tc>, window_params = [{pipeline_mode = #tpu.pipeline_mode<synchronous>, transform_indices = @transform_0, window_bounds = array<i64: 8192, 1>}, {pipeline_mode = #tpu.pipeline_mode<synchronous>, transform_indices = @transform_1, window_bounds = array<i64: 2, 8192>}, {pipeline_mode = #tpu.pipeline_mode<synchronous>, transform_indices = @transform_2, window_bounds = array<i64: 1, 1>}, {pipeline_mode = #tpu.pipeline_mode<synchronous>, transform_indices = @transform_3, window_bounds = array<i64: 1, 1>}]} {
    %get3A = arith.constant 0 : index
    %get3A_0 = arith.constant 0 : index
    %get3A_1 = vector.load %arg1[%get3A, %get3A_0] : memref<8192x1xf32, #tpu.memory_space<vmem>>, vector<8192x1xf32>
    %reduce_sum3A = vector.shape_cast %get3A_1 : vector<8192x1xf32> to vector<1x8192x1xf32>
    %reduce_sum3A_2 = arith.constant dense<0.000000e+00> : vector<1xf32>
    %reduce_sum3A_3 = vector.multi_reduction <add>, %reduce_sum3A, %reduce_sum3A_2 [1, 2] : vector<1x8192x1xf32> to vector<1xf32>
    %reduce_sum3A_4 = vector.shape_cast %reduce_sum3A_3 : vector<1xf32> to vector<1x1x1xf32>
    %reduce_sum3A_5 = vector.extract %reduce_sum3A_4[0, 0, 0] : f32 from vector<1x1x1xf32>
    %reshape3A = vector.broadcast %reduce_sum3A_5 : f32 to vector<1x1xf32>
    %mul3A = arith.constant 2.500000e-01 : f32
    %mul3A_6 = vector.broadcast %mul3A : f32 to vector<1x1xf32>
    %mul3A_7 = arith.mulf %mul3A_6, %reshape3A : vector<1x1xf32>
    %div3A = arith.constant 0x4A000000 : f32
    %div3A_8 = vector.broadcast %div3A : f32 to vector<1x1xf32>
    %div3A_9 = arith.divf %mul3A_7, %div3A_8 : vector<1x1xf32>
    %swap3A = arith.constant 0 : index
    %swap3A_10 = arith.constant 0 : index
    %swap3A_11 = vector.load %arg3[%swap3A, %swap3A_10] : memref<1x1xf32, #tpu.memory_space<vmem>>, vector<1x1xf32>
    tpu.vector_store %arg3[%swap3A, %swap3A_10], %div3A_9 {strides = array<i32>} : memref<1x1xf32, #tpu.memory_space<vmem>>, vector<1x1xf32>,
    %get3A_12 = arith.constant 0 : index
    %get3A_13 = arith.constant 0 : index
    %get3A_14 = vector.load %arg2[%get3A_12, %get3A_13] : memref<2x8192xf32, #tpu.memory_space<vmem>>, vector<2x8192xf32>
    %reduce_sum3A_15 = arith.constant dense<0.000000e+00> : vector<8192xf32>
    %reduce_sum3A_16 = vector.multi_reduction <add>, %get3A_14, %reduce_sum3A_15 [0] : vector<2x8192xf32> to vector<8192xf32>
    %broadcast_in_dim3A = vector.shape_cast %reduce_sum3A_16 : vector<8192xf32> to vector<1x8192xf32>
    %mul3A_17 = arith.constant 1.22070313E-4 : f32
    %mul3A_18 = vector.broadcast %mul3A_17 : f32 to vector<1x8192xf32>
    %mul3A_19 = arith.mulf %broadcast_in_dim3A, %mul3A_18 : vector<1x8192xf32>
    %add3A = arith.constant 1.000000e-10 : f32
    %add3A_20 = vector.broadcast %add3A : f32 to vector<1x8192xf32>
    %add3A_21 = arith.addf %mul3A_19, %add3A_20 : vector<1x8192xf32>
    %log3A = math.log %add3A_21 : vector<1x8192xf32>
    %mul3A_22 = arith.mulf %mul3A_19, %log3A : vector<1x8192xf32>
    %reduce_sum3A_23 = vector.shape_cast %mul3A_22 : vector<1x8192xf32> to vector<1x1x8192xf32>
    %reduce_sum3A_24 = arith.constant dense<0.000000e+00> : vector<1xf32>
    %reduce_sum3A_25 = vector.multi_reduction <add>, %reduce_sum3A_23, %reduce_sum3A_24 [1, 2] : vector<1x1x8192xf32> to vector<1xf32>
    %reduce_sum3A_26 = vector.shape_cast %reduce_sum3A_25 : vector<1xf32> to vector<1x1x1xf32>
    %reduce_sum3A_27 = vector.extract %reduce_sum3A_26[0, 0, 0] : f32 from vector<1x1x1xf32>
    %reshape3A_28 = vector.broadcast %reduce_sum3A_27 : f32 to vector<1x1xf32>
    %neg3A = arith.constant 0.000000e+00 : f32
    %neg3A_29 = vector.broadcast %neg3A : f32 to vector<1x1xf32>
    %neg3A_30 = arith.subf %neg3A_29, %reshape3A_28 : vector<1x1xf32>
    %exp3A = math.exp %neg3A_30 : vector<1x1xf32>
    %swap3A_31 = arith.constant 0 : index
    %swap3A_32 = arith.constant 0 : index
    %swap3A_33 = vector.load %arg4[%swap3A_31, %swap3A_32] : memref<1x1xf32, #tpu.memory_space<vmem>>, vector<1x1xf32>
    tpu.vector_store %arg4[%swap3A_31, %swap3A_32], %exp3A {strides = array<i32>} : memref<1x1xf32, #tpu.memory_space<vmem>>, vector<1x1xf32>,
    return
  }
  func.func @transform_0(%arg0: i32) -> (i32, i32) {
    %c0_i32 = arith.constant 0 : i32
    %c0_i32_0 = arith.constant 0 : i32
    %c0_i32_1 = arith.constant 0 : i32
    return %c0_i32, %c0_i32_0 : i32, i32
  }
  func.func @transform_1(%arg0: i32) -> (i32, i32) {
    %c0_i32 = arith.constant 0 : i32
    %c0_i32_0 = arith.constant 0 : i32
    %c0_i32_1 = arith.constant 0 : i32
    return %c0_i32, %c0_i32_0 : i32, i32
  }
  func.func @transform_2(%arg0: i32) -> (i32, i32) {
    %c0_i32 = arith.constant 0 : i32
    %c0_i32_0 = arith.constant 0 : i32
    %c0_i32_1 = arith.constant 0 : i32
    return %c0_i32, %c0_i32_0 : i32, i32
  }
  func.func @transform_3(%arg0: i32) -> (i32, i32) {
    %c0_i32 = arith.constant 0 : i32
    %c0_i32_0 = arith.constant 0 : i32
    %c0_i32_1 = arith.constant 0 : i32
    return %c0_i32, %c0_i32_0 : i32, i32
  }
}

module attributes {stable_mosaic.version = 14 : i64} {
  func.func @_fused_body(%arg0: i32, %arg1: i32, %arg2: memref<1024x256xf32, #tpu.memory_space<vmem>>, %arg3: memref<2048x256xf32, #tpu.memory_space<vmem>>, %arg4: memref<1024x1xi32, #tpu.memory_space<vmem>>, %arg5: memref<1024x2048xf32, #tpu.memory_space<vmem>>, %arg6: memref<1024x1xf32, #tpu.memory_space<vmem>>, %arg7: memref<1024x1xf32, #tpu.memory_space<vmem>>, %arg8: memref<1024x1xi32, #tpu.memory_space<vmem>>, %arg9: memref<1024x1xi32, #tpu.memory_space<vmem>>) attributes {dimension_semantics = [#tpu.dimension_semantics<arbitrary>, #tpu.dimension_semantics<arbitrary>], iteration_bounds = array<i64: 9, 4>, scalar_prefetch = 0 : i64, scratch_operands = 3 : i64, tpu.core_type = #tpu.core_type<tc>, window_params = [{transform_indices = @transform_0, window_bounds = array<i64: 1024, 256>}, {transform_indices = @transform_1, window_bounds = array<i64: 2048, 256>}, {transform_indices = @transform_2, window_bounds = array<i64: 1024, 1>}, {transform_indices = @transform_3, window_bounds = array<i64: 1024, 2048>}, {transform_indices = @transform_4, window_bounds = array<i64: 1024, 1>}]} {
    %gt3A = arith.constant 0 : i32
    %gt3A_0 = arith.cmpi sgt, %arg0, %gt3A : i32
    %convert_element_type3A = arith.extui %gt3A_0 : i1 to i32
    %cond3A = arith.constant 0 : i32
    %cond3A_1 = arith.cmpi ne, %convert_element_type3A, %cond3A : i32
    scf.if %cond3A_1 {
      %iota3A = tpu.iota {dimensions = array<i32: 1>} : vector<1024x2048xi32>
      %mul3A = arith.constant 2048 : i32
      %mul3A_6 = arith.muli %arg1, %mul3A : i32
      %add3A = vector.broadcast %mul3A_6 : i32 to vector<1024x2048xi32>
      %add3A_7 = arith.addi %iota3A, %add3A : vector<1024x2048xi32>
      %get3A = arith.constant 0 : index
      %get3A_8 = arith.constant 0 : index
      %get3A_9 = vector.load %arg9[%get3A, %get3A_8] : memref<1024x1xi32, #tpu.memory_space<vmem>>, vector<1024x1xi32>
      %eq3A = vector.broadcast %get3A_9 : vector<1024x1xi32> to vector<1024x2048xi32>
      %eq3A_10 = arith.cmpi eq, %eq3A, %add3A_7 : vector<1024x2048xi32>
      %jit3A = arith.constant 1.000000e+00 : f32
      %jit3A_11 = arith.constant 0.000000e+00 : f32
      %broadcast_in_dim3A = vector.broadcast %jit3A : f32 to vector<1024x2048xf32>
      %broadcast_in_dim3A_12 = vector.broadcast %jit3A_11 : f32 to vector<1024x2048xf32>
      %select_n3A = arith.select %eq3A_10, %broadcast_in_dim3A, %broadcast_in_dim3A_12 : vector<1024x2048xi1>, vector<1024x2048xf32>
      %swap3A = arith.constant 0 : index
      %swap3A_13 = arith.constant 0 : index
      %swap3A_14 = vector.load %arg5[%swap3A, %swap3A_13] : memref<1024x2048xf32, #tpu.memory_space<vmem>>, vector<1024x2048xf32>
      tpu.vector_store %arg5[%swap3A, %swap3A_13], %select_n3A {strides = array<i32>} : memref<1024x2048xf32, #tpu.memory_space<vmem>>, vector<1024x2048xf32>,
    } else {
    }
    %lt3A = arith.constant 8 : i32
    %lt3A_2 = arith.cmpi slt, %arg0, %lt3A : i32
    %convert_element_type3A_3 = arith.extui %lt3A_2 : i1 to i32
    %cond3A_4 = arith.constant 0 : i32
    %cond3A_5 = arith.cmpi ne, %convert_element_type3A_3, %cond3A_4 : i32
    scf.if %cond3A_5 {
      %get3A = arith.constant 0 : index
      %get3A_6 = arith.constant 0 : index
      %get3A_7 = vector.load %arg2[%get3A, %get3A_6] : memref<1024x256xf32, #tpu.memory_space<vmem>>, vector<1024x256xf32>
      %get3A_8 = arith.constant 0 : index
      %get3A_9 = arith.constant 0 : index
      %get3A_10 = vector.load %arg3[%get3A_8, %get3A_9] : memref<2048x256xf32, #tpu.memory_space<vmem>>, vector<2048x256xf32>
      %mul3A = arith.mulf %get3A_7, %get3A_7 : vector<1024x256xf32>
      %reduce_sum3A = arith.constant dense<0.000000e+00> : vector<1024xf32>
      %reduce_sum3A_11 = vector.multi_reduction <add>, %mul3A, %reduce_sum3A [1] : vector<1024x256xf32> to vector<1024xf32>
      %broadcast_in_dim3A = vector.shape_cast %reduce_sum3A_11 : vector<1024xf32> to vector<1024x1xf32>
      %mul3A_12 = arith.mulf %get3A_10, %get3A_10 : vector<2048x256xf32>
      %reduce_sum3A_13 = arith.constant dense<0.000000e+00> : vector<2048xf32>
      %reduce_sum3A_14 = vector.multi_reduction <add>, %mul3A_12, %reduce_sum3A_13 [1] : vector<2048x256xf32> to vector<2048xf32>
      %broadcast_in_dim3A_15 = vector.shape_cast %reduce_sum3A_14 : vector<2048xf32> to vector<2048x1xf32>
      %transpose3A = tpu.transpose %broadcast_in_dim3A_15, [1, 0] : vector<2048x1xf32> -> vector<1x2048xf32>
      %mul3A_16 = arith.constant -2.000000e+00 : f32
      %mul3A_17 = vector.broadcast %mul3A_16 : f32 to vector<1024x256xf32>
      %mul3A_18 = arith.mulf %get3A_7, %mul3A_17 : vector<1024x256xf32>
      %convert_element_type3A_19 = arith.truncf %mul3A_18 : vector<1024x256xf32> to vector<1024x256xbf16>
      %convert_element_type3A_20 = arith.truncf %get3A_10 : vector<2048x256xf32> to vector<2048x256xbf16>
      %dot_general3A = arith.constant dense<0.000000e+00> : vector<1024x2048xf32>
      %dot_general3A_21 = tpu.matmul %convert_element_type3A_19, %convert_element_type3A_20, %dot_general3A {dimension_numbers = #tpu.dot_dimension_numbers<[1], [1], [0], [0], [0, 0, 1, 0], [], []>, transpose_lhs_hint = false} : vector<1024x256xbf16>, vector<2048x256xbf16>, vector<1024x2048xf32> -> vector<1024x2048xf32>
      %add3A = vector.broadcast %broadcast_in_dim3A : vector<1024x1xf32> to vector<1024x2048xf32>
      %add3A_22 = vector.broadcast %transpose3A : vector<1x2048xf32> to vector<1024x2048xf32>
      %add3A_23 = arith.addf %add3A, %add3A_22 : vector<1024x2048xf32>
      %add3A_24 = arith.addf %add3A_23, %dot_general3A_21 : vector<1024x2048xf32>
      %reduce_min3A = arith.constant dense<0x7F800000> : vector<1024xf32>
      %reduce_min3A_25 = vector.multi_reduction <minimumf>, %add3A_24, %reduce_min3A [1] : vector<1024x2048xf32> to vector<1024xf32>
      %broadcast_in_dim3A_26 = vector.shape_cast %reduce_min3A_25 : vector<1024xf32> to vector<1024x1xf32>
      %iota3A = tpu.iota {dimensions = array<i32: 1>} : vector<1x2048xi32>
      %convert_element_type3A_27 = arith.sitofp %iota3A : vector<1x2048xi32> to vector<1x2048xf32>
      %eq3A = vector.broadcast %broadcast_in_dim3A_26 : vector<1024x1xf32> to vector<1024x2048xf32>
      %eq3A_28 = arith.cmpf oeq, %add3A_24, %eq3A : vector<1024x2048xf32>
      %jit3A = arith.constant 2.048000e+03 : f32
      %broadcast_in_dim3A_29 = vector.shape_cast %convert_element_type3A_27 : vector<1x2048xf32> to vector<1x2048xf32>
      %broadcast_in_dim3A_30 = vector.broadcast %broadcast_in_dim3A_29 : vector<1x2048xf32> to vector<1024x2048xf32>
      %broadcast_in_dim3A_31 = vector.broadcast %jit3A : f32 to vector<1024x2048xf32>
      %select_n3A = arith.select %eq3A_28, %broadcast_in_dim3A_30, %broadcast_in_dim3A_31 : vector<1024x2048xi1>, vector<1024x2048xf32>
      %reduce_min3A_32 = arith.constant dense<0x7F800000> : vector<1024xf32>
      %reduce_min3A_33 = vector.multi_reduction <minimumf>, %select_n3A, %reduce_min3A_32 [1] : vector<1024x2048xf32> to vector<1024xf32>
      %broadcast_in_dim3A_34 = vector.shape_cast %reduce_min3A_33 : vector<1024xf32> to vector<1024x1xf32>
      %convert_element_type3A_35 = arith.fptosi %broadcast_in_dim3A_34 : vector<1024x1xf32> to vector<1024x1xi32>
      %mul3A_36 = arith.constant 2048 : i32
      %mul3A_37 = arith.muli %arg1, %mul3A_36 : i32
      %add3A_38 = vector.broadcast %mul3A_37 : i32 to vector<1024x1xi32>
      %add3A_39 = arith.addi %convert_element_type3A_35, %add3A_38 : vector<1024x1xi32>
      %eq3A_40 = arith.constant 0 : i32
      %eq3A_41 = arith.cmpi eq, %arg1, %eq3A_40 : i32
      %convert_element_type3A_42 = arith.extui %eq3A_41 : i1 to i32
      %cond3A_43 = arith.constant 0 : i32
      %cond3A_44 = arith.cmpi ne, %convert_element_type3A_42, %cond3A_43 : i32
      scf.if %cond3A_44 {
        %swap3A = arith.constant 0 : index
        %swap3A_55 = arith.constant 0 : index
        %swap3A_56 = vector.load %arg7[%swap3A, %swap3A_55] : memref<1024x1xf32, #tpu.memory_space<vmem>>, vector<1024x1xf32>
        tpu.vector_store %arg7[%swap3A, %swap3A_55], %broadcast_in_dim3A_26 {strides = array<i32>} : memref<1024x1xf32, #tpu.memory_space<vmem>>, vector<1024x1xf32>,
        %swap3A_57 = arith.constant 0 : index
        %swap3A_58 = arith.constant 0 : index
        %swap3A_59 = vector.load %arg8[%swap3A_57, %swap3A_58] : memref<1024x1xi32, #tpu.memory_space<vmem>>, vector<1024x1xi32>
        tpu.vector_store %arg8[%swap3A_57, %swap3A_58], %add3A_39 {strides = array<i32>} : memref<1024x1xi32, #tpu.memory_space<vmem>>, vector<1024x1xi32>,
      } else {
      }
      %gt3A_45 = arith.constant 0 : i32
      %gt3A_46 = arith.cmpi sgt, %arg1, %gt3A_45 : i32
      %convert_element_type3A_47 = arith.extui %gt3A_46 : i1 to i32
      %cond3A_48 = arith.constant 0 : i32
      %cond3A_49 = arith.cmpi ne, %convert_element_type3A_47, %cond3A_48 : i32
      scf.if %cond3A_49 {
        %get3A_55 = arith.constant 0 : index
        %get3A_56 = arith.constant 0 : index
        %get3A_57 = vector.load %arg7[%get3A_55, %get3A_56] : memref<1024x1xf32, #tpu.memory_space<vmem>>, vector<1024x1xf32>
        %lt3A_58 = arith.cmpf olt, %broadcast_in_dim3A_26, %get3A_57 : vector<1024x1xf32>
        %get3A_59 = arith.constant 0 : index
        %get3A_60 = arith.constant 0 : index
        %get3A_61 = vector.load %arg7[%get3A_59, %get3A_60] : memref<1024x1xf32, #tpu.memory_space<vmem>>, vector<1024x1xf32>
        %select_n3A_62 = arith.select %lt3A_58, %broadcast_in_dim3A_26, %get3A_61 : vector<1024x1xi1>, vector<1024x1xf32>
        %swap3A = arith.constant 0 : index
        %swap3A_63 = arith.constant 0 : index
        %swap3A_64 = vector.load %arg7[%swap3A, %swap3A_63] : memref<1024x1xf32, #tpu.memory_space<vmem>>, vector<1024x1xf32>
        tpu.vector_store %arg7[%swap3A, %swap3A_63], %select_n3A_62 {strides = array<i32>} : memref<1024x1xf32, #tpu.memory_space<vmem>>, vector<1024x1xf32>,
        %get3A_65 = arith.constant 0 : index
        %get3A_66 = arith.constant 0 : index
        %get3A_67 = vector.load %arg8[%get3A_65, %get3A_66] : memref<1024x1xi32, #tpu.memory_space<vmem>>, vector<1024x1xi32>
        %select_n3A_68 = arith.select %lt3A_58, %add3A_39, %get3A_67 : vector<1024x1xi1>, vector<1024x1xi32>
        %swap3A_69 = arith.constant 0 : index
        %swap3A_70 = arith.constant 0 : index
        %swap3A_71 = vector.load %arg8[%swap3A_69, %swap3A_70] : memref<1024x1xi32, #tpu.memory_space<vmem>>, vector<1024x1xi32>
        tpu.vector_store %arg8[%swap3A_69, %swap3A_70], %select_n3A_68 {strides = array<i32>} : memref<1024x1xi32, #tpu.memory_space<vmem>>, vector<1024x1xi32>,
      } else {
      }
      %eq3A_50 = arith.constant 3 : i32
      %eq3A_51 = arith.cmpi eq, %arg1, %eq3A_50 : i32
      %convert_element_type3A_52 = arith.extui %eq3A_51 : i1 to i32
      %cond3A_53 = arith.constant 0 : i32
      %cond3A_54 = arith.cmpi ne, %convert_element_type3A_52, %cond3A_53 : i32
      scf.if %cond3A_54 {
        %get3A_55 = arith.constant 0 : index
        %get3A_56 = arith.constant 0 : index
        %get3A_57 = vector.load %arg8[%get3A_55, %get3A_56] : memref<1024x1xi32, #tpu.memory_space<vmem>>, vector<1024x1xi32>
        %swap3A = arith.constant 0 : index
        %swap3A_58 = arith.constant 0 : index
        %swap3A_59 = vector.load %arg4[%swap3A, %swap3A_58] : memref<1024x1xi32, #tpu.memory_space<vmem>>, vector<1024x1xi32>
        tpu.vector_store %arg4[%swap3A, %swap3A_58], %get3A_57 {strides = array<i32>} : memref<1024x1xi32, #tpu.memory_space<vmem>>, vector<1024x1xi32>,
        %swap3A_60 = arith.constant 0 : index
        %swap3A_61 = arith.constant 0 : index
        %swap3A_62 = vector.load %arg9[%swap3A_60, %swap3A_61] : memref<1024x1xi32, #tpu.memory_space<vmem>>, vector<1024x1xi32>
        tpu.vector_store %arg9[%swap3A_60, %swap3A_61], %get3A_57 {strides = array<i32>} : memref<1024x1xi32, #tpu.memory_space<vmem>>, vector<1024x1xi32>,
        %get3A_63 = arith.constant 0 : index
        %get3A_64 = arith.constant 0 : index
        %get3A_65 = vector.load %arg7[%get3A_63, %get3A_64] : memref<1024x1xf32, #tpu.memory_space<vmem>>, vector<1024x1xf32>
        %swap3A_66 = arith.constant 0 : index
        %swap3A_67 = arith.constant 0 : index
        %swap3A_68 = vector.load %arg6[%swap3A_66, %swap3A_67] : memref<1024x1xf32, #tpu.memory_space<vmem>>, vector<1024x1xf32>
        tpu.vector_store %arg6[%swap3A_66, %swap3A_67], %get3A_65 {strides = array<i32>} : memref<1024x1xf32, #tpu.memory_space<vmem>>, vector<1024x1xf32>,
      } else {
      }
    } else {
    }
    return
  }
  func.func @transform_0(%arg0: i32, %arg1: i32) -> (i32, i32) {
    %min3A = arith.constant 7 : i32
    %min3A_0 = arith.minsi %arg0, %min3A : i32
    %c0_i32 = arith.constant 0 : i32
    %c0_i32_1 = arith.constant 0 : i32
    return %min3A_0, %c0_i32 : i32, i32
  }
  func.func @transform_1(%arg0: i32, %arg1: i32) -> (i32, i32) {
    %c0_i32 = arith.constant 0 : i32
    %c0_i32_0 = arith.constant 0 : i32
    return %arg1, %c0_i32 : i32, i32
  }
  func.func @transform_2(%arg0: i32, %arg1: i32) -> (i32, i32) {
    %min3A = arith.constant 7 : i32
    %min3A_0 = arith.minsi %arg0, %min3A : i32
    %c0_i32 = arith.constant 0 : i32
    %c0_i32_1 = arith.constant 0 : i32
    return %min3A_0, %c0_i32 : i32, i32
  }
  func.func @transform_3(%arg0: i32, %arg1: i32) -> (i32, i32) {
    %sub3A = arith.constant 1 : i32
    %sub3A_0 = arith.subi %arg0, %sub3A : i32
    %max3A = arith.constant 0 : i32
    %max3A_1 = arith.maxsi %sub3A_0, %max3A : i32
    %c0_i32 = arith.constant 0 : i32
    return %max3A_1, %arg1 : i32, i32
  }
  func.func @transform_4(%arg0: i32, %arg1: i32) -> (i32, i32) {
    %min3A = arith.constant 7 : i32
    %min3A_0 = arith.minsi %arg0, %min3A : i32
    %c0_i32 = arith.constant 0 : i32
    %c0_i32_1 = arith.constant 0 : i32
    return %min3A_0, %c0_i32 : i32, i32
  }
}

</mosaic_0001>

<sc_bundles>
// kernel: kernel.5.cloned.1.call-start
scs
__scs_entry_jumppad:
0x0: {  	(pc) =	sbr.rel $0x88, $3  }
0x1: {  	(tag) =	ssettag $0x0;
	lr =	simm.s32 $0x1  }
0x2: {  	[smem:$0x3F9F] =	sst lr;
	_ =	strace $0xD0000000  }
0x3: {  	_ = 	snop  }
0x4: {  	_ = 	snop  }
0x5: {  	_ = 	snop  }
0x6: {  	_ = 	snop  }
0x7: {  	_ = 	snop  }
__scs_overlays_trampoline_lowered:
0x8: {  	[smem:$0x3FAE] =	sst s0  }
0x9: {  	[smem:$0x3FAF] =	sst s1  }
0xa: {  	[smem:$0x3FB0] =	sst s2  }
0xb: {  	[smem:$0x3FB1] =	sst s3  }
0xc: {  	[smem:$0x3FB2] =	sst s4  }
0xd: {  	[smem:$0x3FB3] =	sst s5  }
0xe: {  	[smem:$0x3FB4] =	sst s6  }
0xf: {  	[smem:$0x3FB5] =	sst s7  }
0x10: {  	[smem:$0x3FB6] =	sst s8  }
0x11: {  	[smem:$0x3FB7] =	sst s9;
	s0 =	simm.s32 @!p0 $0x0  }
0x12: {  	s1 =	sld [smem:$0x3F9D];
	s0 =	simm.s32 @p0 $0x1  }
0x13: {  	[smem:$0x3FB8] =	sst s0;
	s0 =	simm.s32 @!p1 $0x0  }
0x14: {  	s2 =	sld [smem:$0x3F9C];
	s0 =	simm.s32 @p1 $0x1  }
0x15: {  	[smem:$0x3FB9] =	sst s0;
	s0 =	simm.s32 @!p2 $0x0  }
0x16: {  	s3 =	sld [smem:$0x3FDB];
	s0 =	simm.s32 @p2 $0x1  }
0x17: {  	s4 =	simm.s32 $0x1BF5;
	[smem:$0x3FBB] =	sst s0  }
0x18: {  	s0 =	sld [smem:$0x3F9E];
	_ =	swait.ge [sflag:s4], $0x0  }
0x19: {  	s7 =	sld [smem:$0x3F9F]  }
0x1a: {  	s8 =	sadd.s32 $0xFFFFE003, lr  }
0x1b: {  	s9 =	sadd.s32 $0xFFFFFEF7, lr;
	s5 =	simm.s32 $0xFFFFFFFF;
	p2 =	slt.u32 s8, $0xFFFFF086  }
0x1c: {  	p1 =	slt.u32 s9, $0xF7A;
	s5 =	simm.s32 @!p2 $0x0  }
0x1d: {  	s5 =	simm.s32 @p1 $0x1;
	p0 =	seq.s32 s7, s2  }
0x1e: {  	s7 =	smul.u32 @!p0 $0xF7A, s2;
	p2 =	seq.s32 @!p0 s5, $0x0  }
0x1f: {  	s9 =	smul.u32 $0xF7A, s1;
	s8 =	simm.s32 @!p0 $0x1BF5;
	p2 =	por !p2, p0  }
0x20: {  	[sflag:s8] =	ssyncset.s32 @!p0 $0xFFFFF086;
	s6 =	sadd.s32 @!p0 s3, s7;
	s7 =	simm.s32 @!p0 $0x108  }
0x21: {  	s3 =	sadd.s32 s3, s9;
	s6 =	sadd.s32 @!p0 $0x88, s6;
	s7 =	simm.s32 @p2 $0x1082  }
0x22: {  	[simem:s7], [sflag:s8] =	dma.local @!p0 [hbm:s6], $0xF7A  }
0x23: {  	s9 =	sor.u32 $0xD0000000, s2;
	s6 =	simm.s32 $0x108;
	_ =	swait.ge @!p0 [sflag:s8], $0x0  }
0x24: {  	s3 =	sadd.s32 $0x88, s3;
	s6 =	simm.s32 @!p1 $0x1082;
	[sflag:s4] =	ssyncset.s32 $0xFFFFF086  }
0x25: {  	[simem:s6], [sflag:s4] =	dma.local [hbm:s3], $0xF7A  }
0x26: {  	[smem:$0x3F9F] =	sst s1;
	(tag) =	ssettag s2;
	_ =	strace s9  }
0x27: {  	s1 =	sld [smem:$0x3FAF]  }
0x28: {  	s2 =	sld [smem:$0x3FB0]  }
0x29: {  	s4 =	sld [smem:$0x3FB2]  }
0x2a: {  	p0 =	seq.s32 s5, $0x0;
	s5 =	sld [smem:$0x3FB3]  }
0x2b: {  	s6 =	sld [smem:$0x3FB4]  }
0x2c: {  	s7 =	sld [smem:$0x3FB5]  }
0x2d: {  	s3 =	simm.s32 $0x108;
	s8 =	sld [smem:$0x3FB6]  }
0x2e: {  	s3 =	simm.s32 @!p0 $0x1082;
	s9 =	sld [smem:$0x3FB7]  }
0x2f: {  	lr =	sadd.s32 s0, s3;
	s0 =	sld [smem:$0x3FAE]  }
0x30: {  	s3 =	sld [smem:$0x3FB1]  }
0x31: {  	[smem:$0x3FBA] =	sst s10  }
0x32: {  	s10 =	sld [smem:$0x3FB8];
	_ =	sdelay $0x3  }
0x33: {  	p0 =	seq.s32 s10, $0x1;
	s10 =	sld [smem:$0x3FBA];
	_ =	sdelay $0x3  }
0x34: {  	[smem:$0x3FBA] =	sst s10  }
0x35: {  	s10 =	sld [smem:$0x3FB9];
	_ =	sdelay $0x3  }
0x36: {  	p1 =	seq.s32 s10, $0x1;
	s10 =	sld [smem:$0x3FBA];
	_ =	sdelay $0x3  }
0x37: {  	[smem:$0x3FBA] =	sst s10  }
0x38: {  	s10 =	sld [smem:$0x3FBB]  }
0x39: {  	_ = 	snop;
	(pc) =	sbr.ind lr, $3  }
0x3a: {  	_ = 	snop  }
0x3b: {  	_ = 	snop  }
0x3c: {  	p2 =	seq.s32 s10, $0x1;
	s10 =	sld [smem:$0x3FBA]  }
0x3d: {  	_ =	shalt  }
0x3e: {  	_ =	shalt  }
0x3f: {  	_ =	shalt  }
0x40: {  	_ =	shalt  }
0x41: {  	_ =	shalt  }
0x42: {  	_ =	shalt  }
0x43: {  	_ =	shalt  }
0x44: {  	_ =	shalt  }
0x45: {  	_ =	shalt  }
0x46: {  	_ =	shalt  }
0x47: {  	_ =	shalt  }
0x48: {  	_ =	shalt  }
0x49: {  	_ =	shalt  }
0x4a: {  	_ =	shalt  }
0x4b: {  	_ =	shalt  }
0x4c: {  	_ =	shalt  }
0x4d: {  	_ =	shalt  }
0x4e: {  	_ =	shalt  }
0x4f: {  	_ =	shalt  }
0x50: {  	_ =	shalt  }
0x51: {  	_ =	shalt  }
0x52: {  	_ =	shalt  }
0x53: {  	_ =	shalt  }
0x54: {  	_ =	shalt  }
0x55: {  	_ =	shalt  }
0x56: {  	_ =	shalt  }
0x57: {  	_ =	shalt  }
0x58: {  	_ =	shalt  }
0x59: {  	_ =	shalt  }
0x5a: {  	_ =	shalt  }
0x5b: {  	_ =	shalt  }
0x5c: {  	_ =	shalt  }
0x5d: {  	_ =	shalt  }
0x5e: {  	_ =	shalt  }
0x5f: {  	_ =	shalt  }
0x60: {  	_ =	shalt  }
0x61: {  	_ =	shalt  }
0x62: {  	_ =	shalt  }
0x63: {  	_ =	shalt  }
0x64: {  	_ =	shalt  }
0x65: {  	_ =	shalt  }
0x66: {  	_ =	shalt  }
0x67: {  	_ =	shalt  }
0x68: {  	_ =	shalt  }
0x69: {  	_ =	shalt  }
0x6a: {  	_ =	shalt  }
0x6b: {  	_ =	shalt  }
0x6c: {  	_ =	shalt  }
0x6d: {  	_ =	shalt  }
0x6e: {  	_ =	shalt  }
0x6f: {  	_ =	shalt  }
0x70: {  	_ =	shalt  }
0x71: {  	_ =	shalt  }
0x72: {  	_ =	shalt  }
0x73: {  	_ =	shalt  }
0x74: {  	_ =	shalt  }
0x75: {  	_ =	shalt  }
0x76: {  	_ =	shalt  }
0x77: {  	_ =	shalt  }
0x78: {  	_ =	shalt  }
0x79: {  	_ =	shalt  }
0x7a: {  	_ =	shalt  }
0x7b: {  	_ =	shalt  }
0x7c: {  	_ =	shalt  }
0x7d: {  	_ =	shalt  }
0x7e: {  	_ =	shalt  }
0x7f: {  	_ =	shalt  }
0x80: {  	_ =	shalt  }
0x81: {  	_ =	shalt  }
0x82: {  	_ =	shalt  }
0x83: {  	_ =	shalt  }
0x84: {  	_ =	shalt  }
0x85: {  	_ =	shalt  }
0x86: {  	_ =	shalt  }
0x87: {  	_ =	shalt  }
.Lfunc_end0:
.L_simem_size_0:
called_computation_lowered:
.L_overlay_start_0:
0x88: {  	s2 =	sld [smem:$0x3FD9]  }
0x89: {  	s3 =	sld [smem:$0x3FFE];
	_ =	sdelay $0x1  }
0x8a: {  	s1 =	srdreg.scid  }
0x8b: {  	s0 =	sand.u32 $0x1, s1  }
0x8c: {  	s14 =	sshll.u32 s0, $0xA;
	s2 =	sadd.s32 s3, s2  }
0x8d: {  	s2 =	sadd.s32 s2, s14  }
0x8e: {  	[smem:$0x3FC6] =	sst s2  }
0x8f: {  	_ = 	snop  }
0x90: {  	s2 =	sld [smem:$0x3FD0];
	_ =	sdelay $0x2  }
0x91: {  	s4 =	simm.s32 $0xA;
	s5 =	simm.s32 $0x10;
	s15 =	sld [smem:$0x3FC8]  }
0x92: {  	[smem:s5], [sflag:s4] =	dma.local [hbm:s2], $0x1  }
0x93: {  	_ =	swait.eq [sflag:s4], $0x1  }
0x94: {  	[sflag:s4] =	ssyncset.done $0x0  }
0x95: {  	s16 =	sld [smem:$0x10];
	[sflag:s4] =	ssyncadd.s32 $0xFFFFFFFF  }
0x96: {  	s17 =	sld [smem:$0x14];
	(tm) =	ssettm $0x1  }
0x97: {  	s18 =	sld [smem:$0x3FFB];
	_ =	sdelay $0x3  }
0x98: {  	_ =	strace s18  }
0x99: {  	s5 =	sld [smem:$0x3FFC];
	_ =	sdelay $0x3  }
0x9a: {  	_ =	strace s5  }
0x9b: {  	s5 =	sld [smem:$0x3FFD];
	_ =	sdelay $0x3  }
0x9c: {  	_ =	strace s5  }
0x9d: {  	_ =	strace $0x8FFFFFFF  }
0x9e: {  	s19 =	sld [smem:$0x3FDB];
	_ =	sdelay $0x1  }
0x9f: {  	s6 =	simm.s32 $_scs_section_size  }
0xa0: {  	s7 =	simm.s32 $_size__tile_overlayer_lowered;
	s8 =	simm.s32 $_tile_overlayer_lowered  }
0xa1: {  	s22 =	simm.s32 $0x1BFF;
	s21 =	sshll.u32 s8, $0x1;
	s5 =	sadd.s32 s6, s19  }
0xa2: {  	s9 =	simm.s32 $0x0;
	s20 =	sshll.u32 s7, $0x1;
	s7 =	sadd.s32 s21, s5  }
0xa3: {  	[timem:s9], [sflag:s22] =	dma.local [hbm:s7], s20  }
0xa4: {  	_ =	swait.ge [sflag:s22], s20  }
0xa5: {  	s6 =	ssub.s32 $0x0, s20;
	[sflag:s22] =	ssyncset.done $0x0  }
0xa6: {  	[sflag:s22] =	ssyncadd.s32 s6;
	_ =	sdelay $0x1  }
0xa7: {  	s23 =	simm.s32 $0x1B8B  }
0xa8: {  	_ =	swait.ge [sflag:s23], $0x1  }
0xa9: {  	[sflag:s23] =	ssyncset.done $0x0  }
0xaa: {  	s25 =	simm.s32 $0x1B8E;
	s24 =	sld [smem:$0x3FFE];
	[sflag:s23] =	ssyncadd.s32 $0xFFFFFFFF  }
0xab: {  	s26 =	simm.s32 $execute0_lowered;
	[smem:$0x3FD2] =	sst s25  }
0xac: {  	s7 =	sshll.u32 s26, $0x1;
	_ =	strace $0x80000046;
	[dreg:$0x1] =	wrdreg $0xFFFFFFFF  }
0xad: {  	s28 =	simm.s32 $_size_execute0_lowered;
	s5 =	sadd.s32 s5, s7;
	[dreg:$0x0] =	wrdreg $0x0  }
0xae: {  	s7 =	sshll.u32 s28, $0x1;
	[dreg:$0x2] =	wrdreg s5  }
0xaf: {  	[dreg:$0x3] =	wrdreg s7  }
0xb0: {  	[dreg:$0x4] =	wrdreg $0xC0  }
0xb1: {  	_ =	task [dreg:s9], $0x5FFFF  }
0xb2: {  	[dreg:$0x1] =	wrdreg $0xFFFFFFFF  }
0xb3: {  	[dreg:$0x0] =	wrdreg $0x60  }
0xb4: {  	[dreg:$0x2] =	wrdreg s15  }
0xb5: {  	[dreg:$0x3] =	wrdreg s17  }
0xb6: {  	[dreg:$0x4] =	wrdreg s24  }
0xb7: {  	[dreg:$0x5] =	wrdreg s16  }
0xb8: {  	[dreg:$0x6] =	wrdreg $0x102000  }
0xb9: {  	[dreg:$0x7] =	wrdreg $0x9  }
0xba: {  	_ =	task.clear_ibuf [dreg:s9], $0x8FFFF;
	_ =	strace $0x90000046  }
0xbb: {  	s29 =	simm.s32 $0x9;
	_ =	strace $0x80000048  }
0xbc: {  	_ =	swait.ge [sflag:s29], $0x1  }
0xbd: {  	[sflag:s29] =	ssyncadd.s32 $0xFFFFFFFF  }
0xbe: {  	_ =	strace $0x90000048  }
0xbf: {  	_ =	sfence  }
0xc0: {  	s30 =	sld [smem:$0x0];
	_ =	sdelay $0x2  }
0xc1: {  	s31 =	sshll.u32 s1, $0xD;
	s1 =	sshrl.u32 s1, $0x2  }
0xc2: {  	s3 =	sand.u32 $0x4000, s31;
	s1 =	sadd.s32 s1, s30  }
0xc3: {  	s0 =	sor.u32 s3, s0;
	s1 =	sshll.u32 s1, $0x11  }
0xc4: {  	s0 =	sor.u32 s1, s0  }
0xc5: {  	s0 =	sadd.s32 $0x8F2B, s0  }
0xc6: {  	[sflag:s0] =	ssyncadd.remote.s32 $0x1  }
0xc7: {  	_ =	sfence.sel $0xFFFF  }
0xc8: {  	[dreg:$0x0] =	wrdreg $0xFFFFFFFF;
	(pc) =	sbr.abs _section_cstart, $3  }
0xc9: {  	[dreg:$0x1] =	wrdreg $0xFFFFFFFF  }
0xca: {  	_ =	task.clear_ibuf [dreg:s9], $0x2FFFF;
	_ =	strace $0x9FFFFFFF  }
0xcb: {  	(tm) =	ssettm $0x7FFFFFFF  }
tec
execute0_lowered:
.L_overlay_start_1:
0x0: {  	(tag) =	ssettag $0x1  }
0x1: {  	s1 =	rddreg [dreg:$0x0]  }
0x2: {  	s4 =	rddreg [dreg:$0x1]  }
0x3: {  	s5 =	rddreg [dreg:$0x2]  }
0x4: {  	s6 =	rddreg [dreg:$0x3]  }
0x5: {  	s0 =	rddreg [dreg:$0x4];
	s3 =	simm.s32 $0x0  }
0x6: {  	[smem:$0x7FF] =	sst s3;
	s9 =	sadd.s32 $0xE00, s5  }
0x7: {  	s30 =	sadd.s32 $0xC00, s5;
	_ =	strace $0x80000047;
	[dreg:$0x6] =	wrdreg s9  }
0x8: {  	s15 =	simm.s32 $0x900;
	[dreg:$0x7] =	wrdreg s30  }
0x9: {  	s16 =	simm.s32 $0x1100;
	[dreg:$0xb] =	wrdreg s15  }
0xa: {  	s17 =	simm.s32 $0x1900;
	[dreg:$0xc] =	wrdreg s16  }
0xb: {  	s7 =	srdreg.scid;
	s18 =	simm.s32 $0x2100;
	[dreg:$0xd] =	wrdreg s17  }
0xc: {  	s8 =	stileid.u32;
	s19 =	simm.s32 $0x2900;
	[dreg:$0xe] =	wrdreg s18  }
0xd: {  	s20 =	simm.s32 $0x3100;
	s21 =	simm.s32 $0x3900;
	[dreg:$0xf] =	wrdreg s19  }
0xe: {  	s23 =	simm.s32 $0x4100;
	s25 =	simm.s32 $0x4900;
	[dreg:$0x10] =	wrdreg s20  }
0xf: {  	s26 =	simm.s32 $0x5100;
	s28 =	simm.s32 $0x5900;
	[dreg:$0x11] =	wrdreg s21  }
0x10: {  	s29 =	simm.s32 $0x6100;
	s7 =	sand.u32 $0x1, s7;
	[dreg:$0x12] =	wrdreg s23  }
0x11: {  	s10 =	sshll.u32 s8, $0x9;
	p0 =	sne.s32 s8, $0x0;
	[dreg:$0x13] =	wrdreg s25  }
0x12: {  	s8 =	simm.s32 $0x100;
	s11 =	sshll.u32 s7, $0x8;
	[dreg:$0x14] =	wrdreg s26  }
0x13: {  	s2 =	sshll.u32 s7, $0x4;
	s22 =	ssub.s32 $0x2, s7;
	[dreg:$0x15] =	wrdreg s28  }
0x14: {  	[dreg:$0x16] =	wrdreg s29;
	s30 =	simm.s32 $0x6900;
	s7 =	simm.s32 $0x10100  }
0x15: {  	s9 =	simm.s32 $0x7900;
	s15 =	simm.s32 $0xA900;
	s16 =	simm.s32 $0xB100  }
0x16: {  	s17 =	simm.s32 $0xB900;
	s18 =	simm.s32 $0xC100;
	s19 =	simm.s32 $0xC900  }
0x17: {  	s20 =	simm.s32 $0xD100;
	s21 =	simm.s32 $0xD900;
	s23 =	simm.s32 $0xE900  }
0x18: {  	s25 =	simm.s32 $0xF900;
	s26 =	simm.s32 $0x1;
	s10 =	sor.u32 s11, s10  }
0x19: {  	s5 =	sadd.s32 s2, s5;
	s24 =	sshrl.u32 s22, $0x1;
	[dreg:$0x17] =	wrdreg s30  }
0x1a: {  	s11 =	simm.s32 $0x8900;
	s31 =	sshrl.u32 s10, $0x3;
	s12 =	sshll.u32 s10, $0x5  }
0x1b: {  	s14 =	sadd.s32 $0x1200, s5;
	s5 =	ssub.s32 s22, s24;
	s10 =	simm.s32 $0x8100  }
0x1c: {  	s22 =	simm.s32 $0xE100;
	s24 =	simm.s32 $0xF100;
	s4 =	sadd.s32 s4, s31  }
0x1d: {  	s13 =	sadd.s32 s6, s12;
	[dreg:$0xa] =	wrdreg s14;
	s6 =	sshrl.u32 @!p0 s0, $0x3  }
0x1e: {  	v2 =	vlaneseq.u32;
	s31 =	simm.s32 $0x7100;
	s12 =	simm.s32 $0x9100;
	[dreg:$0x8] =	wrdreg s4  }
0x1f: {  	vm0 =	vmmov $0xffff;
	v1 =	vshrl.u32 v2, $0x3;
	s14 =	simm.s32 $0xA100;
	[dreg:$0x9] =	wrdreg s13;
	s4 =	smax.u32 s5, $0x1  }
0x20: {  	v0 =	vand.u32 $0x7, v2;
	v2 =	vor.u32 $0x8, v2;
	v1 =	vmul.u32 $0x8, v1;
	s5 =	simm.s32 $0x2;
	[dreg:$0x18] =	wrdreg s31;
	s13 =	simm.s32 $0x9900  }
.LBB2_1:
0x21: {  	s28 =	rddreg [dreg:$0x8]  }
0x22: {  	[tilespmem:s3], [sflag:$0x2] =	stream.linear.gather [hbm4b:s28+s3], $0x100, $0x38;
	[tilespmem:$0x10400] =	vst v63  }
0x23: {  	_ =	swait.ge [sflag:s5], $0x100  }
0x24: {  	[sflag:s5] =	ssyncset.done $0x0  }
0x25: {  	s29 =	simm.s32 @!p0 $0x1C02;
	s28 =	rddreg [dreg:$0x6];
	[sflag:s5] =	ssyncadd.s32 $0xFFFFFF00  }
0x26: {  	[spmem:s6], [sflag:s29] =	dma.local @!p0 [hbm:s28], $0x400  }
0x27: {  	s28 =	simm.s32 @!p0 $0x2  }
0x28: {  	_ =	swait.ge @!p0 [sflag:s28], $0x400  }
0x29: {  	[sflag:s28] =	ssyncset.done @!p0 $0x0  }
0x2a: {  	s30 =	rddreg [dreg:$0x7];
	[sflag:s28] =	ssyncadd.s32 @!p0 $0xFFFFFC00  }
0x2b: {  	[tilespmem:s7], [sflag:$0x2] =	stream.linear.gather [hbm4b:s30+s3], $0x100, $0x38;
	[tilespmem:$0x10400] =	vst v63  }
0x2c: {  	_ =	swait.ge [sflag:s5], $0x100  }
0x2d: {  	[sflag:s5] =	ssyncset.done $0x0  }
0x2e: {  	[sflag:s5] =	ssyncadd.s32 $0xFFFFFF00  }
0x2f: {  	v3 =	vld [tilespmem:$0x0];
	_ =	sdelay $0x4  }
0x30: {  	v4 =	vshll.u32 v3, $0x1  }
0x31: {  	v3 =	vand.u32 $0x7, v3;
	v4 =	vand.u32 $0xFFFFFFF0, v4  }
0x32: {  	v3 =	vor.u32 v3, v4  }
0x33: {  	v4 =	vperm.xlane v3, v0;
	_ =	sdelay $0x1  }
0x34: {  	v3 =	vperm.xlane v3, v2;
	v4 =	vadd.s32 v1, v4;
	_ =	sdelay $0x1  }
0x35: {  	v3 =	vadd.s32 v1, v3;
	_ =	sdelay $0x2  }
0x36: {  	[tilespmem:s8], [sflag:$0x1] =	stream.indirect_vreg.gather [hbm4b:s1+s3], $0x80, v4, vm0, $0xb8;
	[tilespmem:$0x10400] =	vst v63  }
0x37: {  	s31 =	rddreg [dreg:$0xb]  }
0x38: {  	[tilespmem:s31], [sflag:$0x1] =	stream.indirect_vreg.gather [hbm4b:s1+s3], $0x80, v3, vm0, $0xb8;
	[tilespmem:$0x10400] =	vst v63  }
0x39: {  	v3 =	vld [tilespmem:$0x10];
	_ =	sdelay $0x4  }
0x3a: {  	v49 =	vshll.u32 v3, $0x1  }
0x3b: {  	v3 =	vand.u32 $0x7, v3;
	v4 =	vand.u32 $0xFFFFFFF0, v49  }
0x3c: {  	v3 =	vor.u32 v3, v4  }
0x3d: {  	v4 =	vperm.xlane v3, v0;
	_ =	sdelay $0x1  }
0x3e: {  	v3 =	vperm.xlane v3, v2;
	v4 =	vadd.s32 v1, v4;
	_ =	sdelay $0x1  }
0x3f: {  	v3 =	vadd.s32 v1, v3;
	_ =	sdelay $0x1  }
0x40: {  	s0 =	rddreg [dreg:$0xc]  }
0x41: {  	[tilespmem:s0], [sflag:$0x1] =	stream.indirect_vreg.gather [hbm4b:s1+s3], $0x80, v4, vm0, $0xb8;
	[tilespmem:$0x10400] =	vst v63  }
0x42: {  	s31 =	rddreg [dreg:$0xd]  }
0x43: {  	[tilespmem:s31], [sflag:$0x1] =	stream.indirect_vreg.gather [hbm4b:s1+s3], $0x80, v3, vm0, $0xb8;
	[tilespmem:$0x10400] =	vst v63  }
0x44: {  	v3 =	vld [tilespmem:$0x20];
	_ =	sdelay $0x4  }
0x45: {  	v50 =	vshll.u32 v3, $0x1  }
0x46: {  	v3 =	vand.u32 $0x7, v3;
	v4 =	vand.u32 $0xFFFFFFF0, v50  }
0x47: {  	v3 =	vor.u32 v3, v4  }
0x48: {  	v4 =	vperm.xlane v3, v0;
	_ =	sdelay $0x1  }
0x49: {  	v3 =	vperm.xlane v3, v2;
	v4 =	vadd.s32 v1, v4;
	_ =	sdelay $0x1  }
0x4a: {  	v3 =	vadd.s32 v1, v3;
	_ =	sdelay $0x1  }
0x4b: {  	s2 =	rddreg [dreg:$0xe]  }
0x4c: {  	[tilespmem:s2], [sflag:$0x1] =	stream.indirect_vreg.gather [hbm4b:s1+s3], $0x80, v4, vm0, $0xb8;
	[tilespmem:$0x10400] =	vst v63  }
0x4d: {  	s0 =	rddreg [dreg:$0xf]  }
0x4e: {  	[tilespmem:s0], [sflag:$0x1] =	stream.indirect_vreg.gather [hbm4b:s1+s3], $0x80, v3, vm0, $0xb8;
	[tilespmem:$0x10400] =	vst v63  }
0x4f: {  	v3 =	vld [tilespmem:$0x30];
	_ =	sdelay $0x4  }
0x50: {  	v51 =	vshll.u32 v3, $0x1  }
0x51: {  	v3 =	vand.u32 $0x7, v3;
	v4 =	vand.u32 $0xFFFFFFF0, v51  }
0x52: {  	v3 =	vor.u32 v3, v4  }
0x53: {  	v4 =	vperm.xlane v3, v0;
	_ =	sdelay $0x1  }
0x54: {  	v3 =	vperm.xlane v3, v2;
	v4 =	vadd.s32 v1, v4;
	_ =	sdelay $0x1  }
0x55: {  	v3 =	vadd.s32 v1, v3;
	_ =	sdelay $0x1  }
0x56: {  	s2 =	rddreg [dreg:$0x10]  }
0x57: {  	[tilespmem:s2], [sflag:$0x1] =	stream.indirect_vreg.gather [hbm4b:s1+s3], $0x80, v4, vm0, $0xb8;
	[tilespmem:$0x10400] =	vst v63  }
0x58: {  	s0 =	rddreg [dreg:$0x11]  }
0x59: {  	[tilespmem:s0], [sflag:$0x1] =	stream.indirect_vreg.gather [hbm4b:s1+s3], $0x80, v3, vm0, $0xb8;
	[tilespmem:$0x10400] =	vst v63  }
0x5a: {  	v3 =	vld [tilespmem:$0x40];
	_ =	sdelay $0x4  }
0x5b: {  	v52 =	vshll.u32 v3, $0x1  }
0x5c: {  	v3 =	vand.u32 $0x7, v3;
	v4 =	vand.u32 $0xFFFFFFF0, v52  }
0x5d: {  	v3 =	vor.u32 v3, v4  }
0x5e: {  	v4 =	vperm.xlane v3, v0;
	_ =	sdelay $0x1  }
0x5f: {  	v3 =	vperm.xlane v3, v2;
	v4 =	vadd.s32 v1, v4;
	_ =	sdelay $0x1  }
0x60: {  	v3 =	vadd.s32 v1, v3;
	_ =	sdelay $0x1  }
0x61: {  	s2 =	rddreg [dreg:$0x12]  }
0x62: {  	[tilespmem:s2], [sflag:$0x1] =	stream.indirect_vreg.gather [hbm4b:s1+s3], $0x80, v4, vm0, $0xb8;
	[tilespmem:$0x10400] =	vst v63  }
0x63: {  	s0 =	rddreg [dreg:$0x13]  }
0x64: {  	[tilespmem:s0], [sflag:$0x1] =	stream.indirect_vreg.gather [hbm4b:s1+s3], $0x80, v3, vm0, $0xb8;
	[tilespmem:$0x10400] =	vst v63  }
0x65: {  	v3 =	vld [tilespmem:$0x50];
	_ =	sdelay $0x4  }
0x66: {  	v53 =	vshll.u32 v3, $0x1  }
0x67: {  	v3 =	vand.u32 $0x7, v3;
	v4 =	vand.u32 $0xFFFFFFF0, v53  }
0x68: {  	v3 =	vor.u32 v3, v4  }
0x69: {  	v4 =	vperm.xlane v3, v0;
	_ =	sdelay $0x1  }
0x6a: {  	v3 =	vperm.xlane v3, v2;
	v4 =	vadd.s32 v1, v4;
	_ =	sdelay $0x1  }
0x6b: {  	v3 =	vadd.s32 v1, v3;
	_ =	sdelay $0x1  }
0x6c: {  	s2 =	rddreg [dreg:$0x14]  }
0x6d: {  	[tilespmem:s2], [sflag:$0x1] =	stream.indirect_vreg.gather [hbm4b:s1+s3], $0x80, v4, vm0, $0xb8;
	[tilespmem:$0x10400] =	vst v63  }
0x6e: {  	s0 =	rddreg [dreg:$0x15]  }
0x6f: {  	[tilespmem:s0], [sflag:$0x1] =	stream.indirect_vreg.gather [hbm4b:s1+s3], $0x80, v3, vm0, $0xb8;
	[tilespmem:$0x10400] =	vst v63  }
0x70: {  	v3 =	vld [tilespmem:$0x60];
	_ =	sdelay $0x4  }
0x71: {  	v54 =	vshll.u32 v3, $0x1  }
0x72: {  	v3 =	vand.u32 $0x7, v3;
	v4 =	vand.u32 $0xFFFFFFF0, v54  }
0x73: {  	v3 =	vor.u32 v3, v4  }
0x74: {  	v4 =	vperm.xlane v3, v0;
	_ =	sdelay $0x1  }
0x75: {  	v3 =	vperm.xlane v3, v2;
	v4 =	vadd.s32 v1, v4;
	_ =	sdelay $0x1  }
0x76: {  	v3 =	vadd.s32 v1, v3;
	_ =	sdelay $0x1  }
0x77: {  	s2 =	rddreg [dreg:$0x16]  }
0x78: {  	[tilespmem:s2], [sflag:$0x1] =	stream.indirect_vreg.gather [hbm4b:s1+s3], $0x80, v4, vm0, $0xb8;
	[tilespmem:$0x10400] =	vst v63  }
0x79: {  	s0 =	rddreg [dreg:$0x17]  }
0x7a: {  	[tilespmem:s0], [sflag:$0x1] =	stream.indirect_vreg.gather [hbm4b:s1+s3], $0x80, v3, vm0, $0xb8;
	[tilespmem:$0x10400] =	vst v63  }
0x7b: {  	v3 =	vld [tilespmem:$0x70];
	_ =	sdelay $0x4  }
0x7c: {  	v55 =	vshll.u32 v3, $0x1  }
0x7d: {  	v3 =	vand.u32 $0x7, v3;
	v4 =	vand.u32 $0xFFFFFFF0, v55  }
0x7e: {  	v3 =	vor.u32 v3, v4  }
0x7f: {  	v4 =	vperm.xlane v3, v0;
	_ =	sdelay $0x1  }
0x80: {  	v3 =	vperm.xlane v3, v2;
	v4 =	vadd.s32 v1, v4;
	_ =	sdelay $0x1  }
0x81: {  	v3 =	vadd.s32 v1, v3;
	_ =	sdelay $0x1  }
0x82: {  	s2 =	rddreg [dreg:$0x18]  }
0x83: {  	[tilespmem:s2], [sflag:$0x1] =	stream.indirect_vreg.gather [hbm4b:s1+s3], $0x80, v4, vm0, $0xb8;
	[tilespmem:$0x10400] =	vst v63  }
0x84: {  	_ = 	snop  }
0x85: {  	[tilespmem:s9], [sflag:$0x1] =	stream.indirect_vreg.gather [hbm4b:s1+s3], $0x80, v3, vm0, $0xb8;
	[tilespmem:$0x10400] =	vst v63  }
0x86: {  	v3 =	vld [tilespmem:$0x80];
	_ =	sdelay $0x4  }
0x87: {  	v56 =	vshll.u32 v3, $0x1  }
0x88: {  	v3 =	vand.u32 $0x7, v3;
	v4 =	vand.u32 $0xFFFFFFF0, v56  }
0x89: {  	v3 =	vor.u32 v3, v4  }
0x8a: {  	v4 =	vperm.xlane v3, v0;
	_ =	sdelay $0x1  }
0x8b: {  	v3 =	vperm.xlane v3, v2;
	v4 =	vadd.s32 v1, v4;
	_ =	sdelay $0x1  }
0x8c: {  	v3 =	vadd.s32 v1, v3;
	_ =	sdelay $0x2  }
0x8d: {  	[tilespmem:s10], [sflag:$0x1] =	stream.indirect_vreg.gather [hbm4b:s1+s3], $0x80, v4, vm0, $0xb8;
	[tilespmem:$0x10400] =	vst v63  }
0x8e: {  	_ = 	snop  }
0x8f: {  	[tilespmem:s11], [sflag:$0x1] =	stream.indirect_vreg.gather [hbm4b:s1+s3], $0x80, v3, vm0, $0xb8;
	[tilespmem:$0x10400] =	vst v63  }
0x90: {  	v3 =	vld [tilespmem:$0x90];
	_ =	sdelay $0x4  }
0x91: {  	v57 =	vshll.u32 v3, $0x1  }
0x92: {  	v3 =	vand.u32 $0x7, v3;
	v4 =	vand.u32 $0xFFFFFFF0, v57  }
0x93: {  	v3 =	vor.u32 v3, v4  }
0x94: {  	v4 =	vperm.xlane v3, v0;
	_ =	sdelay $0x1  }
0x95: {  	v3 =	vperm.xlane v3, v2;
	v4 =	vadd.s32 v1, v4;
	_ =	sdelay $0x1  }
0x96: {  	v3 =	vadd.s32 v1, v3;
	_ =	sdelay $0x2  }
0x97: {  	[tilespmem:s12], [sflag:$0x1] =	stream.indirect_vreg.gather [hbm4b:s1+s3], $0x80, v4, vm0, $0xb8;
	[tilespmem:$0x10400] =	vst v63  }
0x98: {  	_ = 	snop  }
0x99: {  	[tilespmem:s13], [sflag:$0x1] =	stream.indirect_vreg.gather [hbm4b:s1+s3], $0x80, v3, vm0, $0xb8;
	[tilespmem:$0x10400] =	vst v63  }
0x9a: {  	v3 =	vld [tilespmem:$0xA0];
	_ =	sdelay $0x4  }
0x9b: {  	v58 =	vshll.u32 v3, $0x1  }
0x9c: {  	v3 =	vand.u32 $0x7, v3;
	v4 =	vand.u32 $0xFFFFFFF0, v58  }
0x9d: {  	v3 =	vor.u32 v3, v4  }
0x9e: {  	v4 =	vperm.xlane v3, v0;
	_ =	sdelay $0x1  }
0x9f: {  	v3 =	vperm.xlane v3, v2;
	v4 =	vadd.s32 v1, v4;
	_ =	sdelay $0x1  }
0xa0: {  	v3 =	vadd.s32 v1, v3;
	_ =	sdelay $0x2  }
0xa1: {  	[tilespmem:s14], [sflag:$0x1] =	stream.indirect_vreg.gather [hbm4b:s1+s3], $0x80, v4, vm0, $0xb8;
	[tilespmem:$0x10400] =	vst v63  }
0xa2: {  	_ = 	snop  }
0xa3: {  	[tilespmem:s15], [sflag:$0x1] =	stream.indirect_vreg.gather [hbm4b:s1+s3], $0x80, v3, vm0, $0xb8;
	[tilespmem:$0x10400] =	vst v63  }
0xa4: {  	v3 =	vld [tilespmem:$0xB0];
	_ =	sdelay $0x4  }
0xa5: {  	v59 =	vshll.u32 v3, $0x1  }
0xa6: {  	v3 =	vand.u32 $0x7, v3;
	v4 =	vand.u32 $0xFFFFFFF0, v59  }
0xa7: {  	v3 =	vor.u32 v3, v4  }
0xa8: {  	v4 =	vperm.xlane v3, v0;
	_ =	sdelay $0x1  }
0xa9: {  	v3 =	vperm.xlane v3, v2;
	v4 =	vadd.s32 v1, v4;
	_ =	sdelay $0x1  }
0xaa: {  	v3 =	vadd.s32 v1, v3;
	_ =	sdelay $0x2  }
0xab: {  	[tilespmem:s16], [sflag:$0x1] =	stream.indirect_vreg.gather [hbm4b:s1+s3], $0x80, v4, vm0, $0xb8;
	[tilespmem:$0x10400] =	vst v63  }
0xac: {  	_ = 	snop  }
0xad: {  	[tilespmem:s17], [sflag:$0x1] =	stream.indirect_vreg.gather [hbm4b:s1+s3], $0x80, v3, vm0, $0xb8;
	[tilespmem:$0x10400] =	vst v63  }
0xae: {  	v3 =	vld [tilespmem:$0xC0];
	_ =	sdelay $0x4  }
0xaf: {  	v60 =	vshll.u32 v3, $0x1  }
0xb0: {  	v3 =	vand.u32 $0x7, v3;
	v4 =	vand.u32 $0xFFFFFFF0, v60  }
0xb1: {  	v3 =	vor.u32 v3, v4  }
0xb2: {  	v4 =	vperm.xlane v3, v0;
	_ =	sdelay $0x1  }
0xb3: {  	v3 =	vperm.xlane v3, v2;
	v4 =	vadd.s32 v1, v4;
	_ =	sdelay $0x1  }
0xb4: {  	v3 =	vadd.s32 v1, v3;
	_ =	sdelay $0x2  }
0xb5: {  	[tilespmem:s18], [sflag:$0x1] =	stream.indirect_vreg.gather [hbm4b:s1+s3], $0x80, v4, vm0, $0xb8;
	[tilespmem:$0x10400] =	vst v63  }
0xb6: {  	_ = 	snop  }
0xb7: {  	[tilespmem:s19], [sflag:$0x1] =	stream.indirect_vreg.gather [hbm4b:s1+s3], $0x80, v3, vm0, $0xb8;
	[tilespmem:$0x10400] =	vst v63  }
0xb8: {  	v3 =	vld [tilespmem:$0xD0];
	_ =	sdelay $0x4  }
0xb9: {  	v61 =	vshll.u32 v3, $0x1  }
0xba: {  	v3 =	vand.u32 $0x7, v3;
	v4 =	vand.u32 $0xFFFFFFF0, v61  }
0xbb: {  	v3 =	vor.u32 v3, v4  }
0xbc: {  	v4 =	vperm.xlane v3, v0;
	_ =	sdelay $0x1  }
0xbd: {  	v3 =	vperm.xlane v3, v2;
	v4 =	vadd.s32 v1, v4;
	_ =	sdelay $0x1  }
0xbe: {  	v3 =	vadd.s32 v1, v3;
	_ =	sdelay $0x2  }
0xbf: {  	[tilespmem:s20], [sflag:$0x1] =	stream.indirect_vreg.gather [hbm4b:s1+s3], $0x80, v4, vm0, $0xb8;
	[tilespmem:$0x10400] =	vst v63  }
0xc0: {  	_ = 	snop  }
0xc1: {  	[tilespmem:s21], [sflag:$0x1] =	stream.indirect_vreg.gather [hbm4b:s1+s3], $0x80, v3, vm0, $0xb8;
	[tilespmem:$0x10400] =	vst v63  }
0xc2: {  	v3 =	vld [tilespmem:$0xE0];
	_ =	sdelay $0x4  }
0xc3: {  	v62 =	vshll.u32 v3, $0x1  }
0xc4: {  	v3 =	vand.u32 $0x7, v3;
	v4 =	vand.u32 $0xFFFFFFF0, v62  }
0xc5: {  	v3 =	vor.u32 v3, v4  }
0xc6: {  	v4 =	vperm.xlane v3, v0;
	_ =	sdelay $0x1  }
0xc7: {  	v3 =	vperm.xlane v3, v2;
	v4 =	vadd.s32 v1, v4;
	_ =	sdelay $0x1  }
0xc8: {  	v3 =	vadd.s32 v1, v3;
	_ =	sdelay $0x2  }
0xc9: {  	[tilespmem:s22], [sflag:$0x1] =	stream.indirect_vreg.gather [hbm4b:s1+s3], $0x80, v4, vm0, $0xb8;
	[tilespmem:$0x10400] =	vst v63  }
0xca: {  	_ = 	snop  }
0xcb: {  	[tilespmem:s23], [sflag:$0x1] =	stream.indirect_vreg.gather [hbm4b:s1+s3], $0x80, v3, vm0, $0xb8;
	[tilespmem:$0x10400] =	vst v63  }
0xcc: {  	v3 =	vld [tilespmem:$0xF0];
	_ =	sdelay $0x4  }
0xcd: {  	v63 =	vshll.u32 v3, $0x1  }
0xce: {  	v3 =	vand.u32 $0x7, v3;
	v4 =	vand.u32 $0xFFFFFFF0, v63  }
0xcf: {  	v3 =	vor.u32 v3, v4  }
0xd0: {  	v4 =	vperm.xlane v3, v0;
	_ =	sdelay $0x1  }
0xd1: {  	v3 =	vperm.xlane v3, v2;
	v4 =	vadd.s32 v1, v4;
	_ =	sdelay $0x1  }
0xd2: {  	v3 =	vadd.s32 v1, v3;
	_ =	sdelay $0x2  }
0xd3: {  	[tilespmem:s24], [sflag:$0x1] =	stream.indirect_vreg.gather [hbm4b:s1+s3], $0x80, v4, vm0, $0xb8;
	[tilespmem:$0x10400] =	vst v63  }
0xd4: {  	_ = 	snop  }
0xd5: {  	[tilespmem:s25], [sflag:$0x1] =	stream.indirect_vreg.gather [hbm4b:s1+s3], $0x80, v3, vm0, $0xb8;
	[tilespmem:$0x10400] =	vst v63  }
0xd6: {  	_ =	swait.ge [sflag:s26], $0x10000  }
0xd7: {  	[sflag:s26] =	ssyncset.done $0x0  }
0xd8: {  	[sflag:s26] =	ssyncadd.s32 $0xFFFF0000  }
0xd9: {  	[bflag:$0x0] =	sbarrier.arrive $0xFFFF  }
0xda: {  	s0 =	rddreg [dreg:$0x4]  }
0xdb: {  	[spmem:s0] =	stream.indirect.scatter.add.f32 [tilespmem:s7], [sflag:$0x2], $0x1, s3, s8, $0xb8;
	[tilespmem:$0x10400] =	vst v63  }
0xdc: {  	_ =	swait.ge [sflag:s5], $0x100  }
0xdd: {  	[sflag:s5] =	ssyncset.done $0x0  }
0xde: {  	[sflag:s5] =	ssyncadd.s32 $0xFFFFFF00  }
0xdf: {  	[bflag:$0x0] =	sbarrier.arrive $0xFFFF  }
0xe0: {  	s4 =	sadd.s32 $0xFFFFFFFF, s4;
	s31 =	rddreg [dreg:$0x9]  }
0xe1: {  	[hbm4b:s31+s3] =	stream.linear.scatter [tilespmem:s8], [sflag:$0x2], $0x10000, $0x38;
	[tilespmem:$0x10400] =	vst v63  }
0xe2: {  	p1 =	sne.s32 s4, $0x0;
	s2 =	simm.s32 @!p0 $0x10;
	_ =	swait.ge [sflag:s5], $0x10000  }
0xe3: {  	s0 =	simm.s32 @!p0 $0x20;
	s31 =	simm.s32 @!p0 $0x1;
	[sflag:s5] =	ssyncset.done $0x0  }
.Ltmp0:
0xe4: {  	s30 =	rddreg [dreg:$0xa];
	[sflag:s5] =	ssyncadd.s32 $0xFFFF0000;
	(pc) =	sbr.rel @p1 .LBB2_1-.Ltmp0, $4  }
0xe5: {  	[hbm:s30@s0], [sflag:s29] =	dma.strided @!p0 [spmem:s6@s2], $0x400, s31, $0x10   }
0xe6: {  	_ =	swait.ge @!p0 [sflag:s28], $0x400  }
0xe7: {  	[sflag:s28] =	ssyncset.done @!p0 $0x0  }
0xe8: {  	[sflag:s28] =	ssyncadd.s32 @!p0 $0xFFFFFC00  }
0xe9: {  	_ =	sfence.sel $0x180000  }
0xea: {  	[bflag:$0x0] =	sbarrier.arrive $0xFFFF  }
0xeb: {  	_ =	strace $0x90000047  }
0xec: {  	[bflag:$0x2] =	sbarrier.arrive $0xFFFF  }
0xed: {  	s0 =	rddreg [dreg:$0x5]  }
0xee: {  	s0 =	sadd.s32 @!p0 $0x100000, s0  }
0xef: {  	[sflag:s0] =	ssyncadd.tile.s32 @!p0 $0x1;
	_ =	shalt  }
.Lfunc_end2:
_tile_overlayer_lowered:
.L_overlay_start_2:
0xf0: {  	(tag) =	ssettag $0x2  }
0xf1: {  	s0 =	rddreg [dreg:$0x0];
	s2 =	stileid.u32  }
0xf2: {  	s1 =	rddreg [dreg:$0x1];
	p0 =	sne.s32 s2, $0x0  }
0xf3: {  	s3 =	rddreg [dreg:$0x2];
	[bflag:$0x3] =	sbarrier.arrive $0xFFFF;
	s2 =	simm.s32 @!p0 $0x1C02  }
0xf4: {  	[timem:s3], [sflag:s2] =	dma.local @!p0 [hbm:s0], s1  }
0xf5: {  	s0 =	simm.s32 @!p0 $0x2  }
0xf6: {  	_ =	swait.ge @!p0 [sflag:s0], s1  }
0xf7: {  	s1 =	ssub.s32 @!p0 $0x0, s1;
	[sflag:s0] =	ssyncset.done @!p0 $0x0  }
0xf8: {  	[sflag:s0] =	ssyncadd.s32 @!p0 s1  }
0xf9: {  	[bflag:$0x3] =	sbarrier.arrive $0xFFFF  }
0xfa: {  	_ =	shalt  }

</sc_bundles>
